<compile_context>
chip_gen: v7x
topology: tpu7x:2x2x1
jax: 0.10.2.dev20260603
libtpu: 0.0.44.dev20260713+nightly
codegen_flags: <defaults>
</compile_context>

<pallas_src>
import functools

import jax
import jax.numpy as jnp
from jax import lax
from jax.experimental import pallas as pl
from jax.experimental.pallas import tpu as pltpu
from jax.experimental.pallas import tpu_sc as plsc

_LANES = 16


def _relayout_body(x_ref, o_ref):
    x = x_ref[...]
    D, C = x.shape
    G = 128 // D
    P = C // G
    xT = x.T
    parts = [xT[a * P:(a + 1) * P, :] for a in range(G)]
    o_ref[...] = jnp.concatenate(parts, axis=1)


def _relayout(embT, V, D, C):
    grid = (V + C - 1) // C
    rows = C * D // 128
    return pl.pallas_call(
        _relayout_body,
        grid=(grid,),
        in_specs=[pl.BlockSpec((D, C), lambda i: (0, i))],
        out_specs=pl.BlockSpec((rows, 128), lambda i: (i, 0)),
        out_shape=jax.ShapeDtypeStruct((grid * rows, 128), jnp.float32),
    )(embT)


def kernel(inputs, emb):
    B, H = inputs.shape
    V, D = emb.shape
    NC, NS = 2, 16
    NW = NC * NS
    BPW = B // NW

    C = 16384
    G = 128 // D
    P = C // G
    PSH = P.bit_length() - 1
    t128 = _relayout(emb.T, V, D, C)
    table = t128.reshape(t128.shape[0] * G, D)

    mesh = plsc.VectorSubcoreMesh(
        core_axis_name="c", subcore_axis_name="s", num_cores=NC, num_subcores=NS
    )

    @functools.partial(
        pl.kernel,
        out_type=jax.ShapeDtypeStruct((B, D), jnp.float32),
        mesh=mesh,
        scratch_types=[
            pltpu.VMEM((BPW, H), jnp.int32),
            pltpu.VMEM((H, BPW), jnp.int32),
            pltpu.VMEM((BPW, D), jnp.float32),
            pltpu.SemaphoreType.DMA,
        ],
        compiler_params=pltpu.CompilerParams(
            use_tc_tiling_on_sc=False, needs_layout_passes=False
        ),
    )
    def body(idx_hbm, emb_hbm, out_hbm, raw_v, idx_v, acc_v, sem):
        wid = lax.axis_index("s") * NC + lax.axis_index("c")
        pltpu.sync_copy(idx_hbm.at[pl.ds(wid * BPW, BPW)], raw_v)

        def zero_row(i, carry):
            z = jnp.zeros((_LANES,), jnp.float32)
            acc_v[i, pl.ds(0, _LANES)] = z
            acc_v[i, pl.ds(_LANES, _LANES)] = z
            return carry

        lax.fori_loop(0, BPW, zero_row, 0)

        lane = lax.iota(jnp.int32, _LANES)

        def column(j, carry):
            col = jnp.full((_LANES,), j, jnp.int32)

            def chunk(c, carry2):
                v = plsc.load_gather(raw_v, [c * _LANES + lane, col])
                u = v & (C - 1)
                pv = (v - u) + G * (u & (P - 1)) + lax.shift_right_logical(u, PSH)
                idx_v[j, pl.ds(c * _LANES, _LANES)] = pv
                return carry2

            lax.fori_loop(0, BPW // _LANES, chunk, 0)
            pltpu.async_copy(emb_hbm.at[idx_v.at[j]], acc_v, sem, add=True)
            return carry

        lax.fori_loop(0, H, column, 0)

        def drain(j, carry):
            pltpu.make_async_copy(emb_hbm.at[idx_v.at[j]], acc_v, sem).wait()
            return carry

        lax.fori_loop(0, H, drain, 0)

        pltpu.sync_copy(acc_v, out_hbm.at[pl.ds(wid * BPW, BPW)])

    return body(inputs, table)

# --- scband reference (transcript-rebuilt; emitter-appended) ---
"""Pipeline reference for scband-multi-label-embedding2-28475633172796 (READ-ONLY COPY).

The authoritative reference and input builder live on the scoring server;
editing this copy changes nothing except your own understanding.
"""

import jax, jax.numpy as jnp
import numpy as np

VOCAB = 1000000
EMBED = 32
BATCH = 16384
HIST = 50

def setup_inputs(seed: int = 0) -> dict:
    key = jax.random.key(seed)
    k1, k2 = jax.random.split(key)
    inputs = jax.random.randint(k1, (BATCH, HIST), 0, VOCAB, dtype=jnp.int32)
    emb = jax.random.normal(k2, (VOCAB, EMBED), dtype=jnp.float32)
    return {"inputs": inputs, "emb": emb}

def reference(inputs, emb):
    # For each row of `inputs`: gather embeddings [L, D] and sum over the
    # label axis (-2), then stack rows -> [B, D]. Vectorized equivalently as:
    h = jnp.take(emb, inputs, axis=0)  # [B, L, D]
    out = jnp.sum(h, axis=-2)          # [B, D]
    return out

if __name__ == "__main__":
    import jax
    _d = setup_inputs()
    print(jax.jit(kernel)(*tuple(_d.values())))

</pallas_src>

<mosaic_0001>
#map = affine_map<(d0, d1) -> (0, 0)>
module attributes {stable_mosaic.version = 14 : i64} {
  func.func @body(%arg0: i32, %arg1: i32, %arg2: memref<16384x50xi32, #tpu.memory_space<hbm>>, %arg3: memref<1015808x32xf32, #tpu.memory_space<hbm>>, %arg4: memref<16384x32xf32, #tpu.memory_space<hbm>>, %arg5: memref<512x50xi32, #tpu.memory_space<vmem>>, %arg6: memref<50x512xi32, #tpu.memory_space<vmem>>, %arg7: memref<512x32xf32, #tpu.memory_space<vmem>>, %arg8: memref<!tpu.dma_semaphore, #tpu.memory_space<semaphore_mem>>) attributes {dimension_semantics = [#tpu.dimension_semantics<core_parallel>, #tpu.dimension_semantics<subcore_parallel>], iteration_bounds = array<i64: 2, 16>, scalar_prefetch = 0 : i64, scratch_operands = 4 : i64, tpu.core_type = #tpu.core_type<sc_vector_subcore>, window_params = [{transform_indices = #map}, {transform_indices = #map}, {transform_indices = #map}]} {
    %mul3A = arith.constant 2 : i32
    %mul3A_0 = arith.muli %arg1, %mul3A : i32
    %add3A = arith.addi %mul3A_0, %arg0 : i32
    %mul3A_1 = arith.constant 512 : i32
    %mul3A_2 = arith.muli %add3A, %mul3A_1 : i32
    "tpu.region"() ({
      %run_scoped3A = tpu.sem_alloc : memref<!tpu.dma_semaphore, #tpu.memory_space<semaphore_mem>>
      %dma_start3A = arith.constant 0 : i32
      %dma_start3A_22 = tpu.memref_slice %arg2[%mul3A_2, %dma_start3A] : memref<16384x50xi32, #tpu.memory_space<hbm>> -> memref<512x50xi32, #tpu.memory_space<hbm>>
      %dma_start3A_23 = arith.constant 0 : i32
      %dma_start3A_24 = tpu.memref_slice %arg2[%mul3A_2, %dma_start3A_23] : memref<16384x50xi32, #tpu.memory_space<hbm>> -> memref<512x50xi32, #tpu.memory_space<hbm>>
      tpu.enqueue_dma source(%dma_start3A_24 : memref<512x50xi32, #tpu.memory_space<hbm>>) target(%arg5 : memref<512x50xi32, #tpu.memory_space<vmem>>) target_semaphore(%run_scoped3A : memref<!tpu.dma_semaphore, #tpu.memory_space<semaphore_mem>>)
      %dma_wait3A = arith.constant 0 : i32
      %dma_wait3A_25 = tpu.memref_slice %arg2[%mul3A_2, %dma_wait3A] : memref<16384x50xi32, #tpu.memory_space<hbm>> -> memref<512x50xi32, #tpu.memory_space<hbm>>
      %dma_wait3A_26 = arith.constant 0 : i32
      %dma_wait3A_27 = tpu.memref_slice %arg2[%mul3A_2, %dma_wait3A_26] : memref<16384x50xi32, #tpu.memory_space<hbm>> -> memref<512x50xi32, #tpu.memory_space<hbm>>
      tpu.wait_dma2 semaphore(%run_scoped3A : memref<!tpu.dma_semaphore, #tpu.memory_space<semaphore_mem>>) src(%dma_wait3A_27 : memref<512x50xi32, #tpu.memory_space<hbm>>) dst(%arg5 : memref<512x50xi32, #tpu.memory_space<vmem>>)
      tpu.yield
    }) : () -> ()
    %scan3A = arith.constant 0 : i32
    %scan3A_3 = arith.constant 0 : i32
    %scan3A_4 = arith.constant 512 : i32
    %scan3A_5 = arith.addi %scan3A_3, %scan3A_4 : i32
    %scan3A_6 = arith.constant 1 : i32
    scf.for %scan3A_22 = %scan3A_3 to %scan3A_5 step %scan3A_6  : i32 {
      %broadcast_in_dim3A = arith.constant 0.000000e+00 : f32
      %broadcast_in_dim3A_23 = vector.broadcast %broadcast_in_dim3A : f32 to vector<16xf32>
      %swap3A = arith.index_cast %scan3A_22 : i32 to index
      %swap3A_24 = arith.constant 0 : index
      %swap3A_25 = tpu.vector_load %arg7[%swap3A, %swap3A_24] {strides = array<i32>} : memref<512x32xf32, #tpu.memory_space<vmem>>, vector<16xf32>,
      tpu.vector_store %arg7[%swap3A, %swap3A_24], %broadcast_in_dim3A_23 {strides = array<i32>} : memref<512x32xf32, #tpu.memory_space<vmem>>, vector<16xf32>,
      %swap3A_26 = arith.index_cast %scan3A_22 : i32 to index
      %swap3A_27 = arith.constant 16 : index
      %swap3A_28 = tpu.vector_load %arg7[%swap3A_26, %swap3A_27] {strides = array<i32>} : memref<512x32xf32, #tpu.memory_space<vmem>>, vector<16xf32>,
      tpu.vector_store %arg7[%swap3A_26, %swap3A_27], %broadcast_in_dim3A_23 {strides = array<i32>} : memref<512x32xf32, #tpu.memory_space<vmem>>, vector<16xf32>,
    }
    %scan3A_7 = arith.constant 512 : i32
    %iota3A = tpu.iota {dimensions = array<i32: 0>} : vector<16xi32>
    %scan3A_8 = arith.constant 0 : i32
    %scan3A_9 = arith.constant 0 : i32
    %scan3A_10 = arith.constant 50 : i32
    %scan3A_11 = arith.addi %scan3A_9, %scan3A_10 : i32
    %scan3A_12 = arith.constant 1 : i32
    scf.for %scan3A_22 = %scan3A_9 to %scan3A_11 step %scan3A_12  : i32 {
      %broadcast_in_dim3A = vector.broadcast %scan3A_22 : i32 to vector<16xi32>
      %scan3A_23 = arith.constant 0 : i32
      %scan3A_24 = arith.constant 0 : i32
      %scan3A_25 = arith.constant 32 : i32
      %scan3A_26 = arith.addi %scan3A_24, %scan3A_25 : i32
      %scan3A_27 = arith.constant 1 : i32
      scf.for %scan3A_34 = %scan3A_24 to %scan3A_26 step %scan3A_27  : i32 {
        %mul3A_35 = arith.constant 16 : i32
        %mul3A_36 = arith.muli %scan3A_34, %mul3A_35 : i32
        %add3A_37 = vector.broadcast %mul3A_36 : i32 to vector<16xi32>
        %add3A_38 = arith.addi %add3A_37, %iota3A : vector<16xi32>
        %gather3A = tpu.vector_load_idx %arg5[%add3A_38, %broadcast_in_dim3A] : memref<512x50xi32, #tpu.memory_space<vmem>>[vector<16xi32>, vector<16xi32>], vector<16xi32>,
        %and3A = arith.constant 16383 : i32
        %and3A_39 = vector.broadcast %and3A : i32 to vector<16xi32>
        %and3A_40 = arith.andi %gather3A, %and3A_39 : vector<16xi32>
        %sub3A = arith.subi %gather3A, %and3A_40 : vector<16xi32>
        %and3A_41 = arith.constant 4095 : i32
        %and3A_42 = vector.broadcast %and3A_41 : i32 to vector<16xi32>
        %and3A_43 = arith.andi %and3A_40, %and3A_42 : vector<16xi32>
        %mul3A_44 = arith.constant 4 : i32
        %mul3A_45 = vector.broadcast %mul3A_44 : i32 to vector<16xi32>
        %mul3A_46 = arith.muli %mul3A_45, %and3A_43 : vector<16xi32>
        %add3A_47 = arith.addi %sub3A, %mul3A_46 : vector<16xi32>
        %shift_right_logical3A = arith.constant 12 : i32
        %shift_right_logical3A_48 = vector.broadcast %shift_right_logical3A : i32 to vector<16xi32>
        %shift_right_logical3A_49 = arith.shrui %and3A_40, %shift_right_logical3A_48 : vector<16xi32>
        %add3A_50 = arith.addi %add3A_47, %shift_right_logical3A_49 : vector<16xi32>
        %mul3A_51 = arith.constant 16 : i32
        %mul3A_52 = arith.muli %scan3A_34, %mul3A_51 : i32
        %swap3A = arith.index_cast %scan3A_22 : i32 to index
        %swap3A_53 = arith.index_cast %mul3A_52 : i32 to index
        %swap3A_54 = tpu.vector_load %arg6[%swap3A, %swap3A_53] {strides = array<i32>} : memref<50x512xi32, #tpu.memory_space<vmem>>, vector<16xi32>,
        tpu.vector_store %arg6[%swap3A, %swap3A_53], %add3A_50 {strides = array<i32>} : memref<50x512xi32, #tpu.memory_space<vmem>>, vector<16xi32>,
      }
      %scan3A_28 = arith.constant 32 : i32
      %dma_start3A = arith.constant 0 : i32
      %dma_start3A_29 = tpu.memref_slice %arg6[%scan3A_22, %dma_start3A] : memref<50x512xi32, #tpu.memory_space<vmem>> -> memref<1x512xi32, #tpu.memory_space<vmem>>
      %dma_start3A_30 = tpu.memref_squeeze %dma_start3A_29 : memref<1x512xi32, #tpu.memory_space<vmem>> -> memref<512xi32, #tpu.memory_space<vmem>>
      %dma_start3A_31 = arith.constant 0 : i32
      %dma_start3A_32 = arith.constant 0 : i32
      %dma_start3A_33 = tpu.memref_slice %arg3[%dma_start3A_31, %dma_start3A_32] : memref<1015808x32xf32, #tpu.memory_space<hbm>> -> memref<1015808x32xf32, #tpu.memory_space<hbm>>
      tpu.enqueue_indirect_dma source(%dma_start3A_33 : memref<1015808x32xf32, #tpu.memory_space<hbm>>) target(%arg7 : memref<512x32xf32, #tpu.memory_space<vmem>>) offsets(%dma_start3A_30 : memref<512xi32, #tpu.memory_space<vmem>>) semaphore(%arg8 : memref<!tpu.dma_semaphore, #tpu.memory_space<semaphore_mem>>) {add = true}
    }
    %scan3A_13 = arith.constant 50 : i32
    %scan3A_14 = arith.constant 0 : i32
    %scan3A_15 = arith.constant 0 : i32
    %scan3A_16 = arith.constant 50 : i32
    %scan3A_17 = arith.addi %scan3A_15, %scan3A_16 : i32
    %scan3A_18 = arith.constant 1 : i32
    scf.for %scan3A_22 = %scan3A_15 to %scan3A_17 step %scan3A_18  : i32 {
      %dma_wait3A = arith.constant 0 : i32
      %dma_wait3A_23 = tpu.memref_slice %arg6[%scan3A_22, %dma_wait3A] : memref<50x512xi32, #tpu.memory_space<vmem>> -> memref<1x512xi32, #tpu.memory_space<vmem>>
      %dma_wait3A_24 = tpu.memref_squeeze %dma_wait3A_23 : memref<1x512xi32, #tpu.memory_space<vmem>> -> memref<512xi32, #tpu.memory_space<vmem>>
      %dma_wait3A_25 = arith.constant 0 : i32
      %dma_wait3A_26 = arith.constant 0 : i32
      %dma_wait3A_27 = tpu.memref_slice %arg3[%dma_wait3A_25, %dma_wait3A_26] : memref<1015808x32xf32, #tpu.memory_space<hbm>> -> memref<1015808x32xf32, #tpu.memory_space<hbm>>
      tpu.wait_indirect_dma semaphore(%arg8 : memref<!tpu.dma_semaphore, #tpu.memory_space<semaphore_mem>>) src(%dma_wait3A_27 : memref<1015808x32xf32, #tpu.memory_space<hbm>>) dst(%arg7 : memref<512x32xf32, #tpu.memory_space<vmem>>)
    }
    %scan3A_19 = arith.constant 50 : i32
    %mul3A_20 = arith.constant 512 : i32
    %mul3A_21 = arith.muli %add3A, %mul3A_20 : i32
    "tpu.region"() ({
      %run_scoped3A = tpu.sem_alloc : memref<!tpu.dma_semaphore, #tpu.memory_space<semaphore_mem>>
      %dma_start3A = arith.constant 0 : i32
      %dma_start3A_22 = tpu.memref_slice %arg4[%mul3A_21, %dma_start3A] : memref<16384x32xf32, #tpu.memory_space<hbm>> -> memref<512x32xf32, #tpu.memory_space<hbm>>
      %dma_start3A_23 = arith.constant 0 : i32
      %dma_start3A_24 = tpu.memref_slice %arg4[%mul3A_21, %dma_start3A_23] : memref<16384x32xf32, #tpu.memory_space<hbm>> -> memref<512x32xf32, #tpu.memory_space<hbm>>
      tpu.enqueue_dma source(%arg7 : memref<512x32xf32, #tpu.memory_space<vmem>>) target(%dma_start3A_24 : memref<512x32xf32, #tpu.memory_space<hbm>>) target_semaphore(%run_scoped3A : memref<!tpu.dma_semaphore, #tpu.memory_space<semaphore_mem>>)
      %dma_wait3A = arith.constant 0 : i32
      %dma_wait3A_25 = tpu.memref_slice %arg4[%mul3A_21, %dma_wait3A] : memref<16384x32xf32, #tpu.memory_space<hbm>> -> memref<512x32xf32, #tpu.memory_space<hbm>>
      %dma_wait3A_26 = arith.constant 0 : i32
      %dma_wait3A_27 = tpu.memref_slice %arg4[%mul3A_21, %dma_wait3A_26] : memref<16384x32xf32, #tpu.memory_space<hbm>> -> memref<512x32xf32, #tpu.memory_space<hbm>>
      tpu.wait_dma2 semaphore(%run_scoped3A : memref<!tpu.dma_semaphore, #tpu.memory_space<semaphore_mem>>) src(%arg7 : memref<512x32xf32, #tpu.memory_space<vmem>>) dst(%dma_wait3A_27 : memref<512x32xf32, #tpu.memory_space<hbm>>)
      tpu.yield
    }) : () -> ()
    return
  }
}

module attributes {stable_mosaic.version = 14 : i64} {
  func.func @_relayout_body(%arg0: i32, %arg1: memref<32x16384xf32, #tpu.memory_space<vmem>>, %arg2: memref<4096x128xf32, #tpu.memory_space<vmem>>) attributes {dimension_semantics = [#tpu.dimension_semantics<arbitrary>], iteration_bounds = array<i64: 62>, scalar_prefetch = 0 : i64, scratch_operands = 0 : i64, tpu.core_type = #tpu.core_type<tc>, window_params = [{transform_indices = @transform_0, window_bounds = array<i64: 32, 16384>}, {transform_indices = @transform_1, window_bounds = array<i64: 4096, 128>}]} {
    %get3A = arith.constant 0 : index
    %get3A_0 = arith.constant 0 : index
    %get3A_1 = vector.load %arg1[%get3A, %get3A_0] : memref<32x16384xf32, #tpu.memory_space<vmem>>, vector<32x16384xf32>
    %transpose3A = tpu.transpose %get3A_1, [1, 0] : vector<32x16384xf32> -> vector<16384x32xf32>
    %slice3A = vector.extract_strided_slice %transpose3A {offsets = [0, 0], sizes = [4096, 32], strides = [1, 1]} : vector<16384x32xf32> to vector<4096x32xf32>
    %slice3A_2 = vector.extract_strided_slice %transpose3A {offsets = [4096, 0], sizes = [4096, 32], strides = [1, 1]} : vector<16384x32xf32> to vector<4096x32xf32>
    %slice3A_3 = vector.extract_strided_slice %transpose3A {offsets = [8192, 0], sizes = [4096, 32], strides = [1, 1]} : vector<16384x32xf32> to vector<4096x32xf32>
    %slice3A_4 = vector.extract_strided_slice %transpose3A {offsets = [12288, 0], sizes = [4096, 32], strides = [1, 1]} : vector<16384x32xf32> to vector<4096x32xf32>
    %concatenate3A = tpu.concatenate %slice3A, %slice3A_2, %slice3A_3, %slice3A_4 in 1 : vector<4096x32xf32>, vector<4096x32xf32>, vector<4096x32xf32>, vector<4096x32xf32> -> vector<4096x128xf32>
    %swap3A = arith.constant 0 : index
    %swap3A_5 = arith.constant 0 : index
    %swap3A_6 = vector.load %arg2[%swap3A, %swap3A_5] : memref<4096x128xf32, #tpu.memory_space<vmem>>, vector<4096x128xf32>
    tpu.vector_store %arg2[%swap3A, %swap3A_5], %concatenate3A {strides = array<i32>} : memref<4096x128xf32, #tpu.memory_space<vmem>>, vector<4096x128xf32>,
    return
  }
  func.func @transform_0(%arg0: i32) -> (i32, i32) {
    %c0_i32 = arith.constant 0 : i32
    %c0_i32_0 = arith.constant 0 : i32
    return %c0_i32, %arg0 : i32, i32
  }
  func.func @transform_1(%arg0: i32) -> (i32, i32) {
    %c0_i32 = arith.constant 0 : i32
    %c0_i32_0 = arith.constant 0 : i32
    return %arg0, %c0_i32 : i32, i32
  }
}

</mosaic_0001>

<sc_bundles>
// kernel: kernel.4.cloned.1.call-start
scs
__scs_entry_jumppad:
0x0: {  	(pc) =	sbr.rel $0x88, $3  }
0x1: {  	(tag) =	ssettag $0x0;
	lr =	simm.s32 $0x1  }
0x2: {  	[smem:$0x3F9F] =	sst lr;
	_ =	strace $0xD0000000  }
0x3: {  	_ = 	snop  }
0x4: {  	_ = 	snop  }
0x5: {  	_ = 	snop  }
0x6: {  	_ = 	snop  }
0x7: {  	_ = 	snop  }
__scs_overlays_trampoline_lowered:
0x8: {  	[smem:$0x3FAE] =	sst s0  }
0x9: {  	[smem:$0x3FAF] =	sst s1  }
0xa: {  	[smem:$0x3FB0] =	sst s2  }
0xb: {  	[smem:$0x3FB1] =	sst s3  }
0xc: {  	[smem:$0x3FB2] =	sst s4  }
0xd: {  	[smem:$0x3FB3] =	sst s5  }
0xe: {  	[smem:$0x3FB4] =	sst s6  }
0xf: {  	[smem:$0x3FB5] =	sst s7  }
0x10: {  	[smem:$0x3FB6] =	sst s8  }
0x11: {  	[smem:$0x3FB7] =	sst s9;
	s0 =	simm.s32 @!p0 $0x0  }
0x12: {  	s1 =	sld [smem:$0x3F9D];
	s0 =	simm.s32 @p0 $0x1  }
0x13: {  	[smem:$0x3FB8] =	sst s0;
	s0 =	simm.s32 @!p1 $0x0  }
0x14: {  	s2 =	sld [smem:$0x3F9C];
	s0 =	simm.s32 @p1 $0x1  }
0x15: {  	[smem:$0x3FB9] =	sst s0;
	s0 =	simm.s32 @!p2 $0x0  }
0x16: {  	s3 =	sld [smem:$0x3FDB];
	s0 =	simm.s32 @p2 $0x1  }
0x17: {  	s4 =	simm.s32 $0x1BF5;
	[smem:$0x3FBB] =	sst s0  }
0x18: {  	s0 =	sld [smem:$0x3F9E];
	_ =	swait.ge [sflag:s4], $0x0  }
0x19: {  	s7 =	sld [smem:$0x3F9F]  }
0x1a: {  	s8 =	sadd.s32 $0xFFFFE003, lr  }
0x1b: {  	s9 =	sadd.s32 $0xFFFFFEF7, lr;
	s5 =	simm.s32 $0xFFFFFFFF;
	p2 =	slt.u32 s8, $0xFFFFF086  }
0x1c: {  	p1 =	slt.u32 s9, $0xF7A;
	s5 =	simm.s32 @!p2 $0x0  }
0x1d: {  	s5 =	simm.s32 @p1 $0x1;
	p0 =	seq.s32 s7, s2  }
0x1e: {  	s7 =	smul.u32 @!p0 $0xF7A, s2;
	p2 =	seq.s32 @!p0 s5, $0x0  }
0x1f: {  	s9 =	smul.u32 $0xF7A, s1;
	s8 =	simm.s32 @!p0 $0x1BF5;
	p2 =	por !p2, p0  }
0x20: {  	[sflag:s8] =	ssyncset.s32 @!p0 $0xFFFFF086;
	s6 =	sadd.s32 @!p0 s3, s7;
	s7 =	simm.s32 @!p0 $0x108  }
0x21: {  	s3 =	sadd.s32 s3, s9;
	s6 =	sadd.s32 @!p0 $0x88, s6;
	s7 =	simm.s32 @p2 $0x1082  }
0x22: {  	[simem:s7], [sflag:s8] =	dma.local @!p0 [hbm:s6], $0xF7A  }
0x23: {  	s9 =	sor.u32 $0xD0000000, s2;
	s6 =	simm.s32 $0x108;
	_ =	swait.ge @!p0 [sflag:s8], $0x0  }
0x24: {  	s3 =	sadd.s32 $0x88, s3;
	s6 =	simm.s32 @!p1 $0x1082;
	[sflag:s4] =	ssyncset.s32 $0xFFFFF086  }
0x25: {  	[simem:s6], [sflag:s4] =	dma.local [hbm:s3], $0xF7A  }
0x26: {  	[smem:$0x3F9F] =	sst s1;
	(tag) =	ssettag s2;
	_ =	strace s9  }
0x27: {  	s1 =	sld [smem:$0x3FAF]  }
0x28: {  	s2 =	sld [smem:$0x3FB0]  }
0x29: {  	s4 =	sld [smem:$0x3FB2]  }
0x2a: {  	p0 =	seq.s32 s5, $0x0;
	s5 =	sld [smem:$0x3FB3]  }
0x2b: {  	s6 =	sld [smem:$0x3FB4]  }
0x2c: {  	s7 =	sld [smem:$0x3FB5]  }
0x2d: {  	s3 =	simm.s32 $0x108;
	s8 =	sld [smem:$0x3FB6]  }
0x2e: {  	s3 =	simm.s32 @!p0 $0x1082;
	s9 =	sld [smem:$0x3FB7]  }
0x2f: {  	lr =	sadd.s32 s0, s3;
	s0 =	sld [smem:$0x3FAE]  }
0x30: {  	s3 =	sld [smem:$0x3FB1]  }
0x31: {  	[smem:$0x3FBA] =	sst s10  }
0x32: {  	s10 =	sld [smem:$0x3FB8];
	_ =	sdelay $0x3  }
0x33: {  	p0 =	seq.s32 s10, $0x1;
	s10 =	sld [smem:$0x3FBA];
	_ =	sdelay $0x3  }
0x34: {  	[smem:$0x3FBA] =	sst s10  }
0x35: {  	s10 =	sld [smem:$0x3FB9];
	_ =	sdelay $0x3  }
0x36: {  	p1 =	seq.s32 s10, $0x1;
	s10 =	sld [smem:$0x3FBA];
	_ =	sdelay $0x3  }
0x37: {  	[smem:$0x3FBA] =	sst s10  }
0x38: {  	s10 =	sld [smem:$0x3FBB]  }
0x39: {  	_ = 	snop;
	(pc) =	sbr.ind lr, $3  }
0x3a: {  	_ = 	snop  }
0x3b: {  	_ = 	snop  }
0x3c: {  	p2 =	seq.s32 s10, $0x1;
	s10 =	sld [smem:$0x3FBA]  }
0x3d: {  	_ =	shalt  }
0x3e: {  	_ =	shalt  }
0x3f: {  	_ =	shalt  }
0x40: {  	_ =	shalt  }
0x41: {  	_ =	shalt  }
0x42: {  	_ =	shalt  }
0x43: {  	_ =	shalt  }
0x44: {  	_ =	shalt  }
0x45: {  	_ =	shalt  }
0x46: {  	_ =	shalt  }
0x47: {  	_ =	shalt  }
0x48: {  	_ =	shalt  }
0x49: {  	_ =	shalt  }
0x4a: {  	_ =	shalt  }
0x4b: {  	_ =	shalt  }
0x4c: {  	_ =	shalt  }
0x4d: {  	_ =	shalt  }
0x4e: {  	_ =	shalt  }
0x4f: {  	_ =	shalt  }
0x50: {  	_ =	shalt  }
0x51: {  	_ =	shalt  }
0x52: {  	_ =	shalt  }
0x53: {  	_ =	shalt  }
0x54: {  	_ =	shalt  }
0x55: {  	_ =	shalt  }
0x56: {  	_ =	shalt  }
0x57: {  	_ =	shalt  }
0x58: {  	_ =	shalt  }
0x59: {  	_ =	shalt  }
0x5a: {  	_ =	shalt  }
0x5b: {  	_ =	shalt  }
0x5c: {  	_ =	shalt  }
0x5d: {  	_ =	shalt  }
0x5e: {  	_ =	shalt  }
0x5f: {  	_ =	shalt  }
0x60: {  	_ =	shalt  }
0x61: {  	_ =	shalt  }
0x62: {  	_ =	shalt  }
0x63: {  	_ =	shalt  }
0x64: {  	_ =	shalt  }
0x65: {  	_ =	shalt  }
0x66: {  	_ =	shalt  }
0x67: {  	_ =	shalt  }
0x68: {  	_ =	shalt  }
0x69: {  	_ =	shalt  }
0x6a: {  	_ =	shalt  }
0x6b: {  	_ =	shalt  }
0x6c: {  	_ =	shalt  }
0x6d: {  	_ =	shalt  }
0x6e: {  	_ =	shalt  }
0x6f: {  	_ =	shalt  }
0x70: {  	_ =	shalt  }
0x71: {  	_ =	shalt  }
0x72: {  	_ =	shalt  }
0x73: {  	_ =	shalt  }
0x74: {  	_ =	shalt  }
0x75: {  	_ =	shalt  }
0x76: {  	_ =	shalt  }
0x77: {  	_ =	shalt  }
0x78: {  	_ =	shalt  }
0x79: {  	_ =	shalt  }
0x7a: {  	_ =	shalt  }
0x7b: {  	_ =	shalt  }
0x7c: {  	_ =	shalt  }
0x7d: {  	_ =	shalt  }
0x7e: {  	_ =	shalt  }
0x7f: {  	_ =	shalt  }
0x80: {  	_ =	shalt  }
0x81: {  	_ =	shalt  }
0x82: {  	_ =	shalt  }
0x83: {  	_ =	shalt  }
0x84: {  	_ =	shalt  }
0x85: {  	_ =	shalt  }
0x86: {  	_ =	shalt  }
0x87: {  	_ =	shalt  }
.Lfunc_end0:
.L_simem_size_0:
called_computation_lowered:
.L_overlay_start_0:
0x88: {  	s2 =	sld [smem:$0x3FD9]  }
0x89: {  	s3 =	sld [smem:$0x3FFE];
	_ =	sdelay $0x1  }
0x8a: {  	s1 =	srdreg.scid  }
0x8b: {  	s0 =	sand.u32 $0x1, s1  }
0x8c: {  	s17 =	sshll.u32 s0, $0xA;
	s2 =	sadd.s32 s3, s2  }
0x8d: {  	s2 =	sadd.s32 s2, s17  }
0x8e: {  	[smem:$0x3FC6] =	sst s2  }
0x8f: {  	_ = 	snop  }
0x90: {  	s2 =	sld [smem:$0x3FD0];
	(tm) =	ssettm $0x1  }
0x91: {  	s18 =	sld [smem:$0x3FFB];
	_ =	sdelay $0x3  }
0x92: {  	_ =	strace s18  }
0x93: {  	s3 =	sld [smem:$0x3FFC];
	_ =	sdelay $0x3  }
0x94: {  	_ =	strace s3  }
0x95: {  	s3 =	sld [smem:$0x3FFD];
	_ =	sdelay $0x3  }
0x96: {  	_ =	strace s3  }
0x97: {  	_ =	strace $0x8FFFFFFF  }
0x98: {  	s19 =	sld [smem:$0x3FDB];
	_ =	sdelay $0x1  }
0x99: {  	s4 =	simm.s32 $_scs_section_size  }
0x9a: {  	s5 =	simm.s32 $_size__tile_overlayer_lowered;
	s6 =	simm.s32 $_tile_overlayer_lowered  }
0x9b: {  	s22 =	simm.s32 $0x1BFF;
	s21 =	sshll.u32 s6, $0x1;
	s3 =	sadd.s32 s4, s19  }
0x9c: {  	s7 =	simm.s32 $0x0;
	s20 =	sshll.u32 s5, $0x1;
	s5 =	sadd.s32 s21, s3  }
0x9d: {  	[timem:s7], [sflag:s22] =	dma.local [hbm:s5], s20  }
0x9e: {  	_ =	swait.ge [sflag:s22], s20  }
0x9f: {  	s4 =	ssub.s32 $0x0, s20;
	[sflag:s22] =	ssyncset.done $0x0  }
0xa0: {  	[sflag:s22] =	ssyncadd.s32 s4;
	_ =	sdelay $0x1  }
0xa1: {  	s23 =	simm.s32 $0x1B8B  }
0xa2: {  	_ =	swait.ge [sflag:s23], $0x1  }
0xa3: {  	[sflag:s23] =	ssyncset.done $0x0  }
0xa4: {  	s25 =	simm.s32 $0x1B8E;
	s24 =	sld [smem:$0x3FFE];
	[sflag:s23] =	ssyncadd.s32 $0xFFFFFFFF  }
0xa5: {  	s26 =	simm.s32 $execute0_lowered;
	[smem:$0x3FD2] =	sst s25  }
0xa6: {  	s5 =	sshll.u32 s26, $0x1;
	_ =	strace $0x80000046;
	[dreg:$0x1] =	wrdreg $0xFFFFFFFF  }
0xa7: {  	s28 =	simm.s32 $_size_execute0_lowered;
	s3 =	sadd.s32 s3, s5;
	[dreg:$0x0] =	wrdreg $0x0  }
0xa8: {  	s5 =	sshll.u32 s28, $0x1;
	[dreg:$0x2] =	wrdreg s3  }
0xa9: {  	[dreg:$0x3] =	wrdreg s5  }
0xaa: {  	[dreg:$0x4] =	wrdreg $0xC0  }
0xab: {  	_ =	task [dreg:s7], $0x5FFFF  }
0xac: {  	[dreg:$0x1] =	wrdreg $0xFFFFFFFF  }
0xad: {  	[dreg:$0x0] =	wrdreg $0x60  }
0xae: {  	[dreg:$0x2] =	wrdreg s24  }
0xaf: {  	[dreg:$0x3] =	wrdreg s2  }
0xb0: {  	[dreg:$0x4] =	wrdreg $0x9  }
0xb1: {  	_ =	task.clear_ibuf [dreg:s7], $0x5FFFF;
	_ =	strace $0x90000046  }
0xb2: {  	s29 =	simm.s32 $0x9;
	_ =	strace $0x80000048  }
0xb3: {  	_ =	swait.ge [sflag:s29], $0x1  }
0xb4: {  	[sflag:s29] =	ssyncadd.s32 $0xFFFFFFFF  }
0xb5: {  	_ =	strace $0x90000048  }
0xb6: {  	_ =	sfence  }
0xb7: {  	s30 =	sld [smem:$0x0];
	_ =	sdelay $0x2  }
0xb8: {  	s31 =	sshll.u32 s1, $0xD;
	s1 =	sshrl.u32 s1, $0x2  }
0xb9: {  	s3 =	sand.u32 $0x4000, s31;
	s1 =	sadd.s32 s1, s30  }
0xba: {  	s0 =	sor.u32 s3, s0;
	s1 =	sshll.u32 s1, $0x11  }
0xbb: {  	s0 =	sor.u32 s1, s0  }
0xbc: {  	s0 =	sadd.s32 $0x8F2B, s0  }
0xbd: {  	[sflag:s0] =	ssyncadd.remote.s32 $0x1  }
0xbe: {  	_ =	sfence.sel $0xFFFF  }
0xbf: {  	[dreg:$0x0] =	wrdreg $0xFFFFFFFF;
	(pc) =	sbr.abs _section_cstart, $3  }
0xc0: {  	[dreg:$0x1] =	wrdreg $0xFFFFFFFF  }
0xc1: {  	_ =	task.clear_ibuf [dreg:s7], $0x2FFFF;
	_ =	strace $0x9FFFFFFF  }
0xc2: {  	(tm) =	ssettm $0x7FFFFFFF  }
0xc3: {  	_ =	shalt  }
tec
execute0_lowered:
.L_overlay_start_1:
0x0: {  	(tag) =	ssettag $0x1  }
0x1: {  	s1 =	srdreg.scid  }
0x2: {  	s0 =	stileid.u32;
	s4 =	rddreg [dreg:$0x0]  }
0x3: {  	s5 =	rddreg [dreg:$0x1];
	s9 =	simm.s32 $0xD400;
	s10 =	simm.s32 $0x1  }
0x4: {  	s11 =	simm.s32 $0x0;
	s3 =	sand.u32 $0x1, s1;
	s30 =	sshll.u32 s0, $0xA  }
0x5: {  	s1 =	rddreg [dreg:$0x2];
	s2 =	sshll.u32 s3, $0x9;
	s8 =	ssub.s32 $0x2, s3  }
0x6: {  	s3 =	sadd.s32 $0x1C400, s4;
	s6 =	sor.u32 s2, s30;
	s2 =	simm.s32 $0x0  }
0x7: {  	s31 =	sshrl.u32 s8, $0x1;
	s7 =	smul.u32 $0x7, s6;
	[smem:$0x7FF] =	sst s2  }
0x8: {  	s6 =	sshll.u32 s6, $0x2;
	s8 =	ssub.s32 s8, s31;
	_ =	strace $0x80000047  }
0x9: {  	v1 =	vlaneseq.u32;
	s5 =	sadd.s32 s5, s6;
	s6 =	smax.u32 s8, $0x1;
	s7 =	sadd.s32 s7, s4  }
0xa: {  	v0 =	vimm.f32 $0.0e+00;
	v1 =	vmul.u32 $0x38, v1;
	s8 =	simm.s32 $0x200;
	s4 =	sadd.s32 $0x400, s7;
	s7 =	simm.s32 $0x2  }
.LBB2_1:
0xb: {  	[tilespmem:s2], [sflag:$0x2] =	stream.linear.gather [hbm4b:s4+s2], $0x7000, $0x38;
	[tilespmem:$0x11400] =	vst v63  }
0xc: {  	_ =	swait.ge [sflag:s7], $0x7000  }
0xd: {  	[sflag:s7] =	ssyncset.done $0x0  }
0xe: {  	s12 =	simm.s32 $0x0;
	[sflag:s7] =	ssyncadd.s32 $0xFFFF9000  }
.LBB2_2:
0xf: {  	p0 =	sne.s32 s12, $0xFF80  }
.Ltmp0:
0x10: {  	_ = 	snop;
	(pc) =	sbr.rel @p0 .LBB2_2-.Ltmp0, $4  }
0x11: {  	_ = 	snop  }
0x12: {  	s13 =	sshra.s32 s12, $0x2  }
0x13: {  	[tilespmem:s13+$0xD400] =	vst v0  }
0x14: {  	s12 =	sadd.s32 $0x80, s12;
	[tilespmem:s13+$0xD410] =	vst v0  }
0x15: {  	s12 =	simm.s32 $0x0;
	s13 =	simm.s32 $0x7000;
	s14 =	simm.s32 $0x0  }
.LBB2_4:
0x16: {  	v2 =	vmov s12  }
0x17: {  	v2 =	vmul.u32 $0x38, v2  }
0x18: {  	v3 =	vmov s14  }
0x19: {  	v3 =	vand.u32 $0x3F, v3;
	v4 =	vbroadcast v2, $0x0  }
0x1a: {  	v2 =	vadd.s32 v1, v3  }
0x1b: {  	v3 =	vadd.s32 v4, v2;
	_ =	sdelay $0x3  }
0x1c: {  	s15 =	simm.s32 $0x10  }
0x1d: {  	v4 =	vmov s15;
	v3 =	vld.idx.msk [tilespmem:v3+s2+$0x0], $0xffff  }
0x1e: {  	v4 =	vmul.u32 $0x38, v4;
	_ =	sdelay $0x1  }
0x1f: {  	v4 =	vbroadcast v4, $0x0;
	_ =	sdelay $0x1  }
0x20: {  	v4 =	vadd.s32 v4, v2;
	v5 =	vshll.u32 v3, $0x2  }
0x21: {  	v6 =	vand.u32 $0xFFFFC000, v3;
	v3 =	vshrl.u32 v3, $0xC;
	v5 =	vand.u32 $0x3FFC, v5  }
0x22: {  	v3 =	vand.u32 $0x3, v3;
	v5 =	vor.u32 v6, v5  }
0x23: {  	s31 =	sshll.u32 s14, $0x9;
	v3 =	vor.u32 v3, v5  }
0x24: {  	s16 =	simm.s32 $0x20;
	s15 =	sand.u32 $0x3FFFFE00, s31;
	[tilespmem:s13+$0x0] =	vst v3  }
0x25: {  	s17 =	simm.s32 $0x30;
	s15 =	sadd.s32 $0x7000, s15;
	v3 =	vld.idx.msk [tilespmem:v4+s2+$0x0], $0xffff;
	v4 =	vmov s16;
	s16 =	smov.u32 s13  }
.LBB2_5:
0x26: {  	p0 =	sne.s32 s17, $0x1F0;
	v4 =	vmul.u32 $0x38, v4;
	_ =	sdelay $0x1  }
0x27: {  	v4 =	vbroadcast v4, $0x0;
	_ =	sdelay $0x1  }
0x28: {  	v5 =	vshll.u32 v3, $0x2;
	v4 =	vadd.s32 v4, v2  }
0x29: {  	v6 =	vand.u32 $0xFFFFC000, v3;
	v3 =	vshrl.u32 v3, $0xC;
	v5 =	vand.u32 $0x3FFC, v5  }
.Ltmp1:
0x2a: {  	v3 =	vand.u32 $0x3, v3;
	v5 =	vor.u32 v6, v5;
	(pc) =	sbr.rel @p0 .LBB2_5-.Ltmp1, $4  }
0x2b: {  	s16 =	sadd.s32 $0x10, s16;
	v3 =	vor.u32 v3, v5  }
0x2c: {  	[tilespmem:s16+$0x0] =	vst v3  }
0x2d: {  	v3 =	vld.idx.msk [tilespmem:v4+s2+$0x0], $0xffff  }
0x2e: {  	v4 =	vmov s17;
	s17 =	sadd.s32 $0x10, s17  }
0x2f: {  	v4 =	vmul.u32 $0x38, v4;
	_ =	sdelay $0x1  }
0x30: {  	v4 =	vbroadcast v4, $0x0;
	_ =	sdelay $0x1  }
0x31: {  	v62 =	vshll.u32 v3, $0x2;
	v2 =	vadd.s32 v4, v2  }
0x32: {  	v5 =	vand.u32 $0xFFFFC000, v3;
	v3 =	vshrl.u32 v3, $0xC;
	v4 =	vand.u32 $0x3FFC, v62  }
0x33: {  	v3 =	vand.u32 $0x3, v3;
	v4 =	vor.u32 v5, v4  }
0x34: {  	s16 =	sadd.s32 $0x10, s16;
	v3 =	vor.u32 v3, v4  }
0x35: {  	[tilespmem:s16+$0x0] =	vst v3  }
0x36: {  	v2 =	vld.idx.msk [tilespmem:v2+s2+$0x0], $0xffff;
	_ =	sdelay $0x3  }
0x37: {  	s14 =	sadd.s32 $0x1, s14  }
0x38: {  	p0 =	sne.s32 s14, $0x32;
	v3 =	vshll.u32 v2, $0x2  }
.Ltmp2:
0x39: {  	v63 =	vand.u32 $0xFFFFC000, v2;
	v2 =	vshrl.u32 v2, $0xC;
	v3 =	vand.u32 $0x3FFC, v3;
	(pc) =	sbr.rel @p0 .LBB2_4-.Ltmp2, $4  }
0x3a: {  	v2 =	vand.u32 $0x3, v2;
	v3 =	vor.u32 v63, v3  }
0x3b: {  	s16 =	sadd.s32 $0x10, s16;
	v2 =	vor.u32 v2, v3  }
0x3c: {  	s13 =	sadd.s32 $0x200, s13;
	[tilespmem:s16+$0x0] =	vst v2  }
0x3d: {  	[tilespmem:s9], [sflag:$0x1] =	stream.indirect.gather.add.f32 [hbm:s3], $0x20, s15, s8, $0xb8;
	[tilespmem:$0x11400] =	vst v63  }
0x3e: {  	_ =	swait.ge [sflag:s10], $0x4000  }
0x3f: {  	s12 =	simm.s32 $0x31;
	[sflag:s10] =	ssyncset.done $0x0  }
.LBB2_8:
0x40: {  	p0 =	sne.s32 s12, $0x1;
	s12 =	sadd.s32 $0xFFFFFFFF, s12;
	[sflag:s10] =	ssyncadd.s32 $0xFFFFC000  }
.Ltmp3:
0x41: {  	(pc) =	sbr.rel @p0 .LBB2_8-.Ltmp3, $3  }
0x42: {  	_ =	sdelay $0x1  }
0x43: {  	_ =	swait.ge [sflag:s10], $0x4000  }
0x44: {  	[sflag:s10] =	ssyncset.done $0x0  }
0x45: {  	s11 =	sadd.s32 $0x1, s11  }
0x46: {  	p0 =	sne.s32 s11, s6  }
.Ltmp4:
0x47: {  	[sflag:s10] =	ssyncadd.s32 $0xFFFFC000;
	(pc) =	sbr.rel @p0 .LBB2_1-.Ltmp4, $4  }
0x48: {  	[hbm4b:s5+s2] =	stream.linear.scatter [tilespmem:s9], [sflag:$0x2], $0x4000, $0x38;
	[tilespmem:$0x11400] =	vst v63  }
0x49: {  	_ =	swait.ge [sflag:s7], $0x4000  }
0x4a: {  	[sflag:s7] =	ssyncset.done $0x0  }
0x4b: {  	[sflag:s7] =	ssyncadd.s32 $0xFFFFC000  }
0x4c: {  	_ =	sfence.sel $0x180000  }
0x4d: {  	[bflag:$0x0] =	sbarrier.arrive $0xFFFF  }
0x4e: {  	p0 =	sne.s32 s0, $0x0;
	_ =	strace $0x90000047  }
0x4f: {  	s0 =	sadd.s32 @!p0 $0x100000, s1;
	[bflag:$0x2] =	sbarrier.arrive $0xFFFF  }
0x50: {  	[sflag:s0] =	ssyncadd.tile.s32 @!p0 $0x1;
	_ =	shalt  }
.Lfunc_end2:
_tile_overlayer_lowered:
.L_overlay_start_2:
0x51: {  	(tag) =	ssettag $0x2  }
0x52: {  	s0 =	rddreg [dreg:$0x0];
	s2 =	stileid.u32  }
0x53: {  	s1 =	rddreg [dreg:$0x1];
	p0 =	sne.s32 s2, $0x0  }
0x54: {  	s3 =	rddreg [dreg:$0x2];
	[bflag:$0x3] =	sbarrier.arrive $0xFFFF;
	s2 =	simm.s32 @!p0 $0x1C02  }
0x55: {  	[timem:s3], [sflag:s2] =	dma.local @!p0 [hbm:s0], s1  }
0x56: {  	s0 =	simm.s32 @!p0 $0x2  }
0x57: {  	_ =	swait.ge @!p0 [sflag:s0], s1  }
0x58: {  	s1 =	ssub.s32 @!p0 $0x0, s1;
	[sflag:s0] =	ssyncset.done @!p0 $0x0  }
0x59: {  	[sflag:s0] =	ssyncadd.s32 @!p0 s1  }
0x5a: {  	[bflag:$0x3] =	sbarrier.arrive $0xFFFF  }
0x5b: {  	_ =	shalt  }

</sc_bundles>
